<compile_context>
chip_gen: v7x
topology: tpu7x:2x2x1
jax: 0.10.2.dev20260603
libtpu: 0.0.44.dev20260713+nightly
codegen_flags: <defaults>
</compile_context>

<pallas_src>
import functools

import jax
import jax.numpy as jnp
from jax import lax
from jax.experimental import pallas as pl
from jax.experimental.pallas import tpu as pltpu
from jax.experimental.pallas import tpu_sc as plsc

_B, _C, _H, _W = 4, 19, 512, 512
_K = 1024
_HSZ = 2 * _C * _K
_NW = 32
_NKEY = _B * _C * _H * _W
_NPK = _NKEY // 2
_NROWP = _NPK // _W
_RPT = _NROWP // _NW
_CROW = 16
_NCH = _RPT // _CROW
_BH = 64


def _p1_body(x_ref, lbl_ref, out_ref):
    x = x_ref[...]
    m = jnp.max(x, axis=1, keepdims=True)
    ex = jnp.exp(x - m)
    p = ex / jnp.sum(ex, axis=1, keepdims=True)
    lbl = lbl_ref[...]
    cids = lax.broadcasted_iota(jnp.int32, (2, _C, _BH, _W), 1)
    fg = lbl[:, None, :, :] == cids
    e = jnp.where(fg, 1.0 - p, p)
    q = jnp.minimum((e * _K).astype(jnp.int32), _K - 1)
    k = jnp.where(fg, _C * _K, 0) + cids * _K + q
    out_ref[0] = k[0] | (k[1] << 16)


def _phase1(cls_score, label):
    return pl.pallas_call(
        _p1_body,
        grid=(_B // 2, _H // _BH),
        in_specs=[
            pl.BlockSpec((2, _C, _BH, _W), lambda b, h: (b, 0, h, 0)),
            pl.BlockSpec((2, _BH, _W), lambda b, h: (b, h, 0)),
        ],
        out_specs=pl.BlockSpec((1, _C, _BH, _W), lambda b, h: (b, 0, h, 0)),
        out_shape=jax.ShapeDtypeStruct((_B // 2, _C, _H, _W), jnp.int32),
    )(cls_score, label)


def _sc_hist_body(keys_hbm, out_hbm, buf0, buf1, hist, sem0, sem1):
    wid = lax.axis_index("s") * 2 + lax.axis_index("c")
    base = wid * _RPT
    zeros = jnp.zeros((16,), jnp.float32)

    @plsc.parallel_loop(0, _HSZ, step=16)
    def _(i):
        hist[pl.ds(i, 16)] = zeros

    ones = jnp.ones((16,), jnp.float32)

    def _start(g, buf, sem):
        pltpu.async_copy(
            keys_hbm.at[pl.ds(base + g * _CROW, _CROW), :], buf, sem
        )

    def _wait(g, buf, sem):
        pltpu.make_async_copy(
            keys_hbm.at[pl.ds(base + g * _CROW, _CROW), :], buf, sem
        ).wait()

    def _consume(buf):
        @plsc.parallel_loop(0, _CROW)
        def _(r):
            @plsc.parallel_loop(0, _W, step=16, unroll=16)
            def _(i):
                pk = buf[r, pl.ds(i, 16)]
                plsc.addupdate_scatter(hist, [pk & 0xFFFF], ones)
                plsc.addupdate_scatter(
                    hist, [lax.shift_right_logical(pk, 16)], ones)

    _start(0, buf0, sem0)

    @pl.loop(0, _NCH, step=2)
    def _(g):
        _start(g + 1, buf1, sem1)
        _wait(g, buf0, sem0)
        _consume(buf0)

        @pl.when(g + 2 < _NCH)
        def _():
            _start(g + 2, buf0, sem0)

        _wait(g + 1, buf1, sem1)
        _consume(buf1)

    pltpu.sync_copy(hist, out_hbm.at[wid])


def _phase2(keys2d):
    mesh = plsc.VectorSubcoreMesh(core_axis_name="c", subcore_axis_name="s")
    f = functools.partial(
        pl.kernel,
        out_type=jax.ShapeDtypeStruct((_NW, _HSZ), jnp.float32),
        mesh=mesh,
        compiler_params=pltpu.CompilerParams(needs_layout_passes=False),
        scratch_types=[
            pltpu.VMEM((_CROW, _W), jnp.int32),
            pltpu.VMEM((_CROW, _W), jnp.int32),
            pltpu.VMEM((_HSZ,), jnp.float32),
            pltpu.SemaphoreType.DMA,
            pltpu.SemaphoreType.DMA,
        ],
    )(_sc_hist_body)
    return f(keys2d)


def _p3_body(h_ref, out_ref):
    hs = jnp.sum(h_ref[...], axis=0)
    bg = hs[:_C]
    fgc = hs[_C:]
    r = lax.broadcasted_iota(jnp.int32, (_K, _K), 0)
    c = lax.broadcasted_iota(jnp.int32, (_K, _K), 1)
    tri = (r <= c).astype(jnp.float32)
    cf = jnp.dot(fgc, tri, preferred_element_type=jnp.float32,
                 precision=lax.Precision.HIGHEST)
    cb = jnp.dot(bg, tri, preferred_element_type=jnp.float32,
                 precision=lax.Precision.HIGHEST)
    gts = jnp.sum(fgc, axis=1, keepdims=True)
    totb = jnp.sum(bg, axis=1, keepdims=True)
    fa = gts - cf
    ba = totb - cb
    mid = (lax.broadcasted_iota(jnp.int32, (1, _K), 1).astype(jnp.float32)
           + 0.5) * (1.0 / _K)
    x = gts + ba
    den1 = jnp.where(x > 0, x, 1.0)
    den2r = x * (x + bg)
    den2 = jnp.where(den2r > 0, den2r, 1.0)
    lc = jnp.sum(fgc * mid / den1
                 + mid * (gts - fa - fgc) * bg / den2, axis=1)
    present = (gts[:, 0] > 0).astype(jnp.float32)
    loss = jnp.sum(lc * present) / jnp.maximum(jnp.sum(present), 1.0)
    out_ref[...] = jnp.full((1, 1), loss, jnp.float32)


def _phase3(partials):
    return pl.pallas_call(
        _p3_body,
        out_shape=jax.ShapeDtypeStruct((1, 1), jnp.float32),
    )(partials)


def kernel(cls_score, label):
    keys = _phase1(cls_score, label)
    partials = _phase2(keys.reshape(_NROWP, _W))
    return _phase3(partials.reshape(_NW, 2 * _C, _K))[0, 0]

# --- scband reference (transcript-rebuilt; emitter-appended) ---
"""Pipeline reference for scband-lovasz-loss-58471684767994 (READ-ONLY COPY).

The authoritative reference and input builder live on the scoring server;
editing this copy changes nothing except your own understanding.
"""

import jax, jax.numpy as jnp
import numpy as np

B, C, H, W = 4, 19, 512, 512


def lovasz_grad(gt_sorted):
    gts = jnp.sum(gt_sorted)
    intersection = gts - jnp.cumsum(gt_sorted, 0)
    union = gts + jnp.cumsum(1.0 - gt_sorted, 0)
    jaccard = 1.0 - intersection / union
    jaccard = jnp.concatenate([jaccard[:1], jaccard[1:] - jaccard[:-1]])
    return jaccard


def lovasz_softmax_flat(probs, labels):
    # classes='present': include class c only if it appears in labels.
    Cn = probs.shape[1]
    losses = []
    presents = []
    for c in range(Cn):
        fg = (labels == c).astype(jnp.float32)
        present = (jnp.sum(fg) > 0).astype(jnp.float32)
        class_pred = probs[:, c]
        errors = jnp.abs(fg - class_pred)
        order = jnp.argsort(-errors)  # descending sort permutation
        errors_sorted = errors[order]
        fg_sorted = fg[order]
        grad = jax.lax.stop_gradient(lovasz_grad(fg_sorted))
        losses.append(jnp.dot(errors_sorted, grad))
        presents.append(present)
    losses = jnp.stack(losses)
    presents = jnp.stack(presents)
    return jnp.sum(losses * presents) / jnp.maximum(jnp.sum(presents), 1.0)


def setup_inputs(seed: int = 0) -> dict:
    key = jax.random.key(seed)
    k1, k2 = jax.random.split(key)
    cls_score = jax.random.normal(k1, (B, C, H, W), dtype=jnp.float32)
    label = jax.random.randint(k2, (B, H, W), 0, C, dtype=jnp.int32)
    return {"cls_score": cls_score, "label": label}


def reference(cls_score, label):
    # LovaszLoss(loss_type='multi_class', classes='present', per_image=False,
    #            reduction='none', loss_weight=1.0).forward(cls_score, label)
    probs = jax.nn.softmax(cls_score, axis=1)
    # flatten_probs: [B,C,H,W] -> [P,C]; labels -> [P].
    # ignore_index=255 never occurs (labels in [0, C)), so the valid mask is all-true.
    probs_flat = jnp.transpose(probs, (0, 2, 3, 1)).reshape(-1, C)
    labels_flat = label.reshape(-1)
    loss = lovasz_softmax_flat(probs_flat, labels_flat)
    return 1.0 * loss

if __name__ == "__main__":
    import jax
    _d = setup_inputs()
    print(jax.jit(kernel)(*tuple(_d.values())))

</pallas_src>

<mosaic_0001>
#map = affine_map<(d0, d1) -> (0, 0)>
module attributes {stable_mosaic.version = 14 : i64} {
  func.func @_sc_hist_body(%arg0: i32, %arg1: i32, %arg2: memref<19456x512xi32, #tpu.memory_space<hbm>>, %arg3: memref<32x38912xf32, #tpu.memory_space<hbm>>, %arg4: memref<16x512xi32, #tpu.memory_space<vmem>>, %arg5: memref<16x512xi32, #tpu.memory_space<vmem>>, %arg6: memref<38912xf32, #tpu.memory_space<vmem>>, %arg7: memref<!tpu.dma_semaphore, #tpu.memory_space<semaphore_mem>>, %arg8: memref<!tpu.dma_semaphore, #tpu.memory_space<semaphore_mem>>) attributes {dimension_semantics = [#tpu.dimension_semantics<core_parallel>, #tpu.dimension_semantics<subcore_parallel>], iteration_bounds = array<i64: 2, 16>, scalar_prefetch = 0 : i64, scratch_operands = 5 : i64, tpu.core_type = #tpu.core_type<sc_vector_subcore>, window_params = [{transform_indices = #map}, {transform_indices = #map}]} {
    %mul3A = arith.constant 2 : i32
    %mul3A_0 = arith.muli %arg1, %mul3A : i32
    %add3A = arith.addi %mul3A_0, %arg0 : i32
    %mul3A_1 = arith.constant 608 : i32
    %mul3A_2 = arith.muli %add3A, %mul3A_1 : i32
    %broadcast_in_dim3A = arith.constant 0.000000e+00 : f32
    %broadcast_in_dim3A_3 = vector.broadcast %broadcast_in_dim3A : f32 to vector<16xf32>
    %parallel_loop3A = arith.constant 0 : i32
    %parallel_loop3A_4 = arith.constant 38912 : i32
    %parallel_loop3A_5 = arith.constant 16 : i32
    scf.for %parallel_loop3A_17 = %parallel_loop3A to %parallel_loop3A_4 step %parallel_loop3A_5  : i32 {
      %parallel_loop3A_18 = arith.index_cast %parallel_loop3A_17 : i32 to index
      %parallel_loop3A_19 = tpu.vector_load %arg6[%parallel_loop3A_18] {strides = array<i32>} : memref<38912xf32, #tpu.memory_space<vmem>>, vector<16xf32>,
      tpu.vector_store %arg6[%parallel_loop3A_18], %broadcast_in_dim3A_3 {strides = array<i32>} : memref<38912xf32, #tpu.memory_space<vmem>>, vector<16xf32>,
    } {sc.loop_unroll_factor = 1 : i64, sc.parallel_access}
    %broadcast_in_dim3A_6 = arith.constant 1.000000e+00 : f32
    %broadcast_in_dim3A_7 = vector.broadcast %broadcast_in_dim3A_6 : f32 to vector<16xf32>
    %add3A_8 = arith.constant 0 : i32
    %add3A_9 = arith.addi %mul3A_2, %add3A_8 : i32
    %dma_start3A = arith.constant 0 : i32
    %dma_start3A_10 = tpu.memref_slice %arg2[%add3A_9, %dma_start3A] : memref<19456x512xi32, #tpu.memory_space<hbm>> -> memref<16x512xi32, #tpu.memory_space<hbm>>
    %dma_start3A_11 = arith.constant 0 : i32
    %dma_start3A_12 = tpu.memref_slice %arg2[%add3A_9, %dma_start3A_11] : memref<19456x512xi32, #tpu.memory_space<hbm>> -> memref<16x512xi32, #tpu.memory_space<hbm>>
    tpu.enqueue_dma source(%dma_start3A_12 : memref<16x512xi32, #tpu.memory_space<hbm>>) target(%arg4 : memref<16x512xi32, #tpu.memory_space<vmem>>) target_semaphore(%arg7 : memref<!tpu.dma_semaphore, #tpu.memory_space<semaphore_mem>>)
    %scan3A = arith.constant 0 : i32
    %scan3A_13 = arith.constant 19 : i32
    %scan3A_14 = arith.addi %scan3A, %scan3A_13 : i32
    %scan3A_15 = arith.constant 1 : i32
    scf.for %scan3A_17 = %scan3A to %scan3A_14 step %scan3A_15  : i32 {
      %mul3A_18 = arith.constant 2 : i32
      %mul3A_19 = arith.muli %scan3A_17, %mul3A_18 : i32
      %add3A_20 = arith.constant 0 : i32
      %add3A_21 = arith.addi %add3A_20, %mul3A_19 : i32
      %add3A_22 = arith.constant 1 : i32
      %add3A_23 = arith.addi %add3A_21, %add3A_22 : i32
      %mul3A_24 = arith.constant 16 : i32
      %mul3A_25 = arith.muli %add3A_23, %mul3A_24 : i32
      %add3A_26 = arith.addi %mul3A_2, %mul3A_25 : i32
      %dma_start3A_27 = arith.constant 0 : i32
      %dma_start3A_28 = tpu.memref_slice %arg2[%add3A_26, %dma_start3A_27] : memref<19456x512xi32, #tpu.memory_space<hbm>> -> memref<16x512xi32, #tpu.memory_space<hbm>>
      %dma_start3A_29 = arith.constant 0 : i32
      %dma_start3A_30 = tpu.memref_slice %arg2[%add3A_26, %dma_start3A_29] : memref<19456x512xi32, #tpu.memory_space<hbm>> -> memref<16x512xi32, #tpu.memory_space<hbm>>
      tpu.enqueue_dma source(%dma_start3A_30 : memref<16x512xi32, #tpu.memory_space<hbm>>) target(%arg5 : memref<16x512xi32, #tpu.memory_space<vmem>>) target_semaphore(%arg8 : memref<!tpu.dma_semaphore, #tpu.memory_space<semaphore_mem>>)
      %mul3A_31 = arith.constant 16 : i32
      %mul3A_32 = arith.muli %add3A_21, %mul3A_31 : i32
      %add3A_33 = arith.addi %mul3A_2, %mul3A_32 : i32
      %dma_wait3A = arith.constant 0 : i32
      %dma_wait3A_34 = tpu.memref_slice %arg2[%add3A_33, %dma_wait3A] : memref<19456x512xi32, #tpu.memory_space<hbm>> -> memref<16x512xi32, #tpu.memory_space<hbm>>
      %dma_wait3A_35 = arith.constant 0 : i32
      %dma_wait3A_36 = tpu.memref_slice %arg2[%add3A_33, %dma_wait3A_35] : memref<19456x512xi32, #tpu.memory_space<hbm>> -> memref<16x512xi32, #tpu.memory_space<hbm>>
      tpu.wait_dma2 semaphore(%arg7 : memref<!tpu.dma_semaphore, #tpu.memory_space<semaphore_mem>>) src(%dma_wait3A_36 : memref<16x512xi32, #tpu.memory_space<hbm>>) dst(%arg4 : memref<16x512xi32, #tpu.memory_space<vmem>>)
      %parallel_loop3A_37 = arith.constant 0 : i32
      %parallel_loop3A_38 = arith.constant 16 : i32
      %parallel_loop3A_39 = arith.constant 1 : i32
      scf.for %parallel_loop3A_56 = %parallel_loop3A_37 to %parallel_loop3A_38 step %parallel_loop3A_39  : i32 {
        %parallel_loop3A_57 = arith.constant 0 : i32
        %parallel_loop3A_58 = arith.constant 512 : i32
        %parallel_loop3A_59 = arith.constant 16 : i32
        scf.for %parallel_loop3A_60 = %parallel_loop3A_57 to %parallel_loop3A_58 step %parallel_loop3A_59  : i32 {
          %parallel_loop3A_61 = arith.index_cast %parallel_loop3A_56 : i32 to index
          %parallel_loop3A_62 = arith.index_cast %parallel_loop3A_60 : i32 to index
          %parallel_loop3A_63 = tpu.vector_load %arg4[%parallel_loop3A_61, %parallel_loop3A_62] {strides = array<i32>} : memref<16x512xi32, #tpu.memory_space<vmem>>, vector<16xi32>,
          %parallel_loop3A_64 = arith.constant 65535 : i32
          %parallel_loop3A_65 = vector.broadcast %parallel_loop3A_64 : i32 to vector<16xi32>
          %parallel_loop3A_66 = arith.andi %parallel_loop3A_63, %parallel_loop3A_65 : vector<16xi32>
          tpu.vector_store_idx %arg6[%parallel_loop3A_66], %broadcast_in_dim3A_7 {add = true} : memref<38912xf32, #tpu.memory_space<vmem>>[vector<16xi32>], vector<16xf32>,
          %parallel_loop3A_67 = arith.constant 16 : i32
          %parallel_loop3A_68 = vector.broadcast %parallel_loop3A_67 : i32 to vector<16xi32>
          %parallel_loop3A_69 = arith.shrui %parallel_loop3A_63, %parallel_loop3A_68 : vector<16xi32>
          tpu.vector_store_idx %arg6[%parallel_loop3A_69], %broadcast_in_dim3A_7 {add = true} : memref<38912xf32, #tpu.memory_space<vmem>>[vector<16xi32>], vector<16xf32>,
        } {sc.loop_unroll_factor = 16 : i64, sc.parallel_access}
      } {sc.loop_unroll_factor = 1 : i64, sc.parallel_access}
      %add3A_40 = arith.constant 2 : i32
      %add3A_41 = arith.addi %add3A_21, %add3A_40 : i32
      %lt3A = arith.constant 38 : i32
      %lt3A_42 = arith.cmpi slt, %add3A_41, %lt3A : i32
      %convert_element_type3A = arith.extui %lt3A_42 : i1 to i32
      %cond3A = arith.constant 0 : i32
      %cond3A_43 = arith.cmpi ne, %convert_element_type3A, %cond3A : i32
      scf.if %cond3A_43 {
        %add3A_56 = arith.constant 2 : i32
        %add3A_57 = arith.addi %add3A_21, %add3A_56 : i32
        %mul3A_58 = arith.constant 16 : i32
        %mul3A_59 = arith.muli %add3A_57, %mul3A_58 : i32
        %add3A_60 = arith.addi %mul3A_2, %mul3A_59 : i32
        %dma_start3A_61 = arith.constant 0 : i32
        %dma_start3A_62 = tpu.memref_slice %arg2[%add3A_60, %dma_start3A_61] : memref<19456x512xi32, #tpu.memory_space<hbm>> -> memref<16x512xi32, #tpu.memory_space<hbm>>
        %dma_start3A_63 = arith.constant 0 : i32
        %dma_start3A_64 = tpu.memref_slice %arg2[%add3A_60, %dma_start3A_63] : memref<19456x512xi32, #tpu.memory_space<hbm>> -> memref<16x512xi32, #tpu.memory_space<hbm>>
        tpu.enqueue_dma source(%dma_start3A_64 : memref<16x512xi32, #tpu.memory_space<hbm>>) target(%arg4 : memref<16x512xi32, #tpu.memory_space<vmem>>) target_semaphore(%arg7 : memref<!tpu.dma_semaphore, #tpu.memory_space<semaphore_mem>>)
      } else {
      }
      %add3A_44 = arith.constant 1 : i32
      %add3A_45 = arith.addi %add3A_21, %add3A_44 : i32
      %mul3A_46 = arith.constant 16 : i32
      %mul3A_47 = arith.muli %add3A_45, %mul3A_46 : i32
      %add3A_48 = arith.addi %mul3A_2, %mul3A_47 : i32
      %dma_wait3A_49 = arith.constant 0 : i32
      %dma_wait3A_50 = tpu.memref_slice %arg2[%add3A_48, %dma_wait3A_49] : memref<19456x512xi32, #tpu.memory_space<hbm>> -> memref<16x512xi32, #tpu.memory_space<hbm>>
      %dma_wait3A_51 = arith.constant 0 : i32
      %dma_wait3A_52 = tpu.memref_slice %arg2[%add3A_48, %dma_wait3A_51] : memref<19456x512xi32, #tpu.memory_space<hbm>> -> memref<16x512xi32, #tpu.memory_space<hbm>>
      tpu.wait_dma2 semaphore(%arg8 : memref<!tpu.dma_semaphore, #tpu.memory_space<semaphore_mem>>) src(%dma_wait3A_52 : memref<16x512xi32, #tpu.memory_space<hbm>>) dst(%arg5 : memref<16x512xi32, #tpu.memory_space<vmem>>)
      %parallel_loop3A_53 = arith.constant 0 : i32
      %parallel_loop3A_54 = arith.constant 16 : i32
      %parallel_loop3A_55 = arith.constant 1 : i32
      scf.for %parallel_loop3A_56 = %parallel_loop3A_53 to %parallel_loop3A_54 step %parallel_loop3A_55  : i32 {
        %parallel_loop3A_57 = arith.constant 0 : i32
        %parallel_loop3A_58 = arith.constant 512 : i32
        %parallel_loop3A_59 = arith.constant 16 : i32
        scf.for %parallel_loop3A_60 = %parallel_loop3A_57 to %parallel_loop3A_58 step %parallel_loop3A_59  : i32 {
          %parallel_loop3A_61 = arith.index_cast %parallel_loop3A_56 : i32 to index
          %parallel_loop3A_62 = arith.index_cast %parallel_loop3A_60 : i32 to index
          %parallel_loop3A_63 = tpu.vector_load %arg5[%parallel_loop3A_61, %parallel_loop3A_62] {strides = array<i32>} : memref<16x512xi32, #tpu.memory_space<vmem>>, vector<16xi32>,
          %parallel_loop3A_64 = arith.constant 65535 : i32
          %parallel_loop3A_65 = vector.broadcast %parallel_loop3A_64 : i32 to vector<16xi32>
          %parallel_loop3A_66 = arith.andi %parallel_loop3A_63, %parallel_loop3A_65 : vector<16xi32>
          tpu.vector_store_idx %arg6[%parallel_loop3A_66], %broadcast_in_dim3A_7 {add = true} : memref<38912xf32, #tpu.memory_space<vmem>>[vector<16xi32>], vector<16xf32>,
          %parallel_loop3A_67 = arith.constant 16 : i32
          %parallel_loop3A_68 = vector.broadcast %parallel_loop3A_67 : i32 to vector<16xi32>
          %parallel_loop3A_69 = arith.shrui %parallel_loop3A_63, %parallel_loop3A_68 : vector<16xi32>
          tpu.vector_store_idx %arg6[%parallel_loop3A_69], %broadcast_in_dim3A_7 {add = true} : memref<38912xf32, #tpu.memory_space<vmem>>[vector<16xi32>], vector<16xf32>,
        } {sc.loop_unroll_factor = 16 : i64, sc.parallel_access}
      } {sc.loop_unroll_factor = 1 : i64, sc.parallel_access}
    }
    %scan3A_16 = arith.constant 19 : i32
    "tpu.region"() ({
      %run_scoped3A = tpu.sem_alloc : memref<!tpu.dma_semaphore, #tpu.memory_space<semaphore_mem>>
      %dma_start3A_17 = arith.constant 0 : i32
      %dma_start3A_18 = tpu.memref_slice %arg3[%add3A, %dma_start3A_17] : memref<32x38912xf32, #tpu.memory_space<hbm>> -> memref<1x38912xf32, #tpu.memory_space<hbm>>
      %dma_start3A_19 = tpu.memref_squeeze %dma_start3A_18 : memref<1x38912xf32, #tpu.memory_space<hbm>> -> memref<38912xf32, #tpu.memory_space<hbm>>
      %dma_start3A_20 = arith.constant 0 : i32
      %dma_start3A_21 = tpu.memref_slice %arg3[%add3A, %dma_start3A_20] : memref<32x38912xf32, #tpu.memory_space<hbm>> -> memref<1x38912xf32, #tpu.memory_space<hbm>>
      %dma_start3A_22 = tpu.memref_squeeze %dma_start3A_21 : memref<1x38912xf32, #tpu.memory_space<hbm>> -> memref<38912xf32, #tpu.memory_space<hbm>>
      tpu.enqueue_dma source(%arg6 : memref<38912xf32, #tpu.memory_space<vmem>>) target(%dma_start3A_22 : memref<38912xf32, #tpu.memory_space<hbm>>) target_semaphore(%run_scoped3A : memref<!tpu.dma_semaphore, #tpu.memory_space<semaphore_mem>>)
      %dma_wait3A = arith.constant 0 : i32
      %dma_wait3A_23 = tpu.memref_slice %arg3[%add3A, %dma_wait3A] : memref<32x38912xf32, #tpu.memory_space<hbm>> -> memref<1x38912xf32, #tpu.memory_space<hbm>>
      %dma_wait3A_24 = tpu.memref_squeeze %dma_wait3A_23 : memref<1x38912xf32, #tpu.memory_space<hbm>> -> memref<38912xf32, #tpu.memory_space<hbm>>
      %dma_wait3A_25 = arith.constant 0 : i32
      %dma_wait3A_26 = tpu.memref_slice %arg3[%add3A, %dma_wait3A_25] : memref<32x38912xf32, #tpu.memory_space<hbm>> -> memref<1x38912xf32, #tpu.memory_space<hbm>>
      %dma_wait3A_27 = tpu.memref_squeeze %dma_wait3A_26 : memref<1x38912xf32, #tpu.memory_space<hbm>> -> memref<38912xf32, #tpu.memory_space<hbm>>
      tpu.wait_dma2 semaphore(%run_scoped3A : memref<!tpu.dma_semaphore, #tpu.memory_space<semaphore_mem>>) src(%arg6 : memref<38912xf32, #tpu.memory_space<vmem>>) dst(%dma_wait3A_27 : memref<38912xf32, #tpu.memory_space<hbm>>)
      tpu.yield
    }) : () -> ()
    return
  }
}

module attributes {stable_mosaic.version = 14 : i64} {
  func.func @_p3_body(%arg0: memref<32x38x1024xf32, #tpu.memory_space<vmem>>, %arg1: memref<1x1xf32, #tpu.memory_space<vmem>>) attributes {dimension_semantics = [], scalar_prefetch = 0 : i64, scratch_operands = 0 : i64, tpu.core_type = #tpu.core_type<tc>} {
    %get3A = arith.constant 0 : index
    %get3A_0 = arith.constant 0 : index
    %get3A_1 = arith.constant 0 : index
    %get3A_2 = vector.load %arg0[%get3A, %get3A_0, %get3A_1] : memref<32x38x1024xf32, #tpu.memory_space<vmem>>, vector<32x38x1024xf32>
    %reduce_sum3A = arith.constant dense<0.000000e+00> : vector<38x1024xf32>
    %reduce_sum3A_3 = vector.multi_reduction <add>, %get3A_2, %reduce_sum3A [0] : vector<32x38x1024xf32> to vector<38x1024xf32>
    %slice3A = vector.extract_strided_slice %reduce_sum3A_3 {offsets = [0, 0], sizes = [19, 1024], strides = [1, 1]} : vector<38x1024xf32> to vector<19x1024xf32>
    %slice3A_4 = vector.extract_strided_slice %reduce_sum3A_3 {offsets = [19, 0], sizes = [19, 1024], strides = [1, 1]} : vector<38x1024xf32> to vector<19x1024xf32>
    %iota3A = tpu.iota {dimensions = array<i32: 0>} : vector<1024x1024xi32>
    %iota3A_5 = tpu.iota {dimensions = array<i32: 1>} : vector<1024x1024xi32>
    %le3A = arith.cmpi sle, %iota3A, %iota3A_5 : vector<1024x1024xi32>
    %convert_element_type3A = arith.extui %le3A : vector<1024x1024xi1> to vector<1024x1024xi32>
    %convert_element_type3A_6 = arith.sitofp %convert_element_type3A : vector<1024x1024xi32> to vector<1024x1024xf32>
    %dot_general3A = arith.constant dense<0.000000e+00> : vector<19x1024xf32>
    %dot_general3A_7 = tpu.matmul %slice3A_4, %convert_element_type3A_6, %dot_general3A {dimension_numbers = #tpu.dot_dimension_numbers<[1], [0], [0], [1], [0, 0, 1, 1], [], []>, precision = #tpu.contract_precision<fp32>, transpose_lhs_hint = false} : vector<19x1024xf32>, vector<1024x1024xf32>, vector<19x1024xf32> -> vector<19x1024xf32>
    %dot_general3A_8 = arith.constant dense<0.000000e+00> : vector<19x1024xf32>
    %dot_general3A_9 = tpu.matmul %slice3A, %convert_element_type3A_6, %dot_general3A_8 {dimension_numbers = #tpu.dot_dimension_numbers<[1], [0], [0], [1], [0, 0, 1, 1], [], []>, precision = #tpu.contract_precision<fp32>, transpose_lhs_hint = false} : vector<19x1024xf32>, vector<1024x1024xf32>, vector<19x1024xf32> -> vector<19x1024xf32>
    %reduce_sum3A_10 = arith.constant dense<0.000000e+00> : vector<19xf32>
    %reduce_sum3A_11 = vector.multi_reduction <add>, %slice3A_4, %reduce_sum3A_10 [1] : vector<19x1024xf32> to vector<19xf32>
    %broadcast_in_dim3A = vector.shape_cast %reduce_sum3A_11 : vector<19xf32> to vector<19x1xf32>
    %reduce_sum3A_12 = arith.constant dense<0.000000e+00> : vector<19xf32>
    %reduce_sum3A_13 = vector.multi_reduction <add>, %slice3A, %reduce_sum3A_12 [1] : vector<19x1024xf32> to vector<19xf32>
    %broadcast_in_dim3A_14 = vector.shape_cast %reduce_sum3A_13 : vector<19xf32> to vector<19x1xf32>
    %sub3A = vector.broadcast %broadcast_in_dim3A : vector<19x1xf32> to vector<19x1024xf32>
    %sub3A_15 = arith.subf %sub3A, %dot_general3A_7 : vector<19x1024xf32>
    %sub3A_16 = vector.broadcast %broadcast_in_dim3A_14 : vector<19x1xf32> to vector<19x1024xf32>
    %sub3A_17 = arith.subf %sub3A_16, %dot_general3A_9 : vector<19x1024xf32>
    %iota3A_18 = tpu.iota {dimensions = array<i32: 1>} : vector<1x1024xi32>
    %convert_element_type3A_19 = arith.sitofp %iota3A_18 : vector<1x1024xi32> to vector<1x1024xf32>
    %add3A = arith.constant 5.000000e-01 : f32
    %add3A_20 = vector.broadcast %add3A : f32 to vector<1x1024xf32>
    %add3A_21 = arith.addf %convert_element_type3A_19, %add3A_20 : vector<1x1024xf32>
    %mul3A = arith.constant 9.765625E-4 : f32
    %mul3A_22 = vector.broadcast %mul3A : f32 to vector<1x1024xf32>
    %mul3A_23 = arith.mulf %add3A_21, %mul3A_22 : vector<1x1024xf32>
    %add3A_24 = vector.broadcast %broadcast_in_dim3A : vector<19x1xf32> to vector<19x1024xf32>
    %add3A_25 = arith.addf %add3A_24, %sub3A_17 : vector<19x1024xf32>
    %gt3A = arith.constant 0.000000e+00 : f32
    %gt3A_26 = vector.broadcast %gt3A : f32 to vector<19x1024xf32>
    %gt3A_27 = arith.cmpf ogt, %add3A_25, %gt3A_26 : vector<19x1024xf32>
    %jit3A = arith.constant 1.000000e+00 : f32
    %broadcast_in_dim3A_28 = vector.broadcast %jit3A : f32 to vector<19x1024xf32>
    %select_n3A = arith.select %gt3A_27, %add3A_25, %broadcast_in_dim3A_28 : vector<19x1024xi1>, vector<19x1024xf32>
    %add3A_29 = arith.addf %add3A_25, %slice3A : vector<19x1024xf32>
    %mul3A_30 = arith.mulf %add3A_25, %add3A_29 : vector<19x1024xf32>
    %gt3A_31 = arith.constant 0.000000e+00 : f32
    %gt3A_32 = vector.broadcast %gt3A_31 : f32 to vector<19x1024xf32>
    %gt3A_33 = arith.cmpf ogt, %mul3A_30, %gt3A_32 : vector<19x1024xf32>
    %jit3A_34 = arith.constant 1.000000e+00 : f32
    %broadcast_in_dim3A_35 = vector.broadcast %jit3A_34 : f32 to vector<19x1024xf32>
    %select_n3A_36 = arith.select %gt3A_33, %mul3A_30, %broadcast_in_dim3A_35 : vector<19x1024xi1>, vector<19x1024xf32>
    %mul3A_37 = vector.broadcast %mul3A_23 : vector<1x1024xf32> to vector<19x1024xf32>
    %mul3A_38 = arith.mulf %slice3A_4, %mul3A_37 : vector<19x1024xf32>
    %div3A = arith.divf %mul3A_38, %select_n3A : vector<19x1024xf32>
    %sub3A_39 = vector.broadcast %broadcast_in_dim3A : vector<19x1xf32> to vector<19x1024xf32>
    %sub3A_40 = arith.subf %sub3A_39, %sub3A_15 : vector<19x1024xf32>
    %sub3A_41 = arith.subf %sub3A_40, %slice3A_4 : vector<19x1024xf32>
    %mul3A_42 = vector.broadcast %mul3A_23 : vector<1x1024xf32> to vector<19x1024xf32>
    %mul3A_43 = arith.mulf %mul3A_42, %sub3A_41 : vector<19x1024xf32>
    %mul3A_44 = arith.mulf %mul3A_43, %slice3A : vector<19x1024xf32>
    %div3A_45 = arith.divf %mul3A_44, %select_n3A_36 : vector<19x1024xf32>
    %add3A_46 = arith.addf %div3A, %div3A_45 : vector<19x1024xf32>
    %reduce_sum3A_47 = arith.constant dense<0.000000e+00> : vector<19xf32>
    %reduce_sum3A_48 = vector.multi_reduction <add>, %add3A_46, %reduce_sum3A_47 [1] : vector<19x1024xf32> to vector<19xf32>
    %squeeze3A = vector.shape_cast %broadcast_in_dim3A : vector<19x1xf32> to vector<19xf32>
    %gt3A_49 = arith.constant 0.000000e+00 : f32
    %gt3A_50 = vector.broadcast %gt3A_49 : f32 to vector<19xf32>
    %gt3A_51 = arith.cmpf ogt, %squeeze3A, %gt3A_50 : vector<19xf32>
    %convert_element_type3A_52 = arith.extui %gt3A_51 : vector<19xi1> to vector<19xi32>
    %convert_element_type3A_53 = arith.sitofp %convert_element_type3A_52 : vector<19xi32> to vector<19xf32>
    %mul3A_54 = arith.mulf %reduce_sum3A_48, %convert_element_type3A_53 : vector<19xf32>
    %reduce_sum3A_55 = vector.shape_cast %mul3A_54 : vector<19xf32> to vector<1x19xf32>
    %reduce_sum3A_56 = arith.constant dense<0.000000e+00> : vector<1xf32>
    %reduce_sum3A_57 = vector.multi_reduction <add>, %reduce_sum3A_55, %reduce_sum3A_56 [1] : vector<1x19xf32> to vector<1xf32>
    %reduce_sum3A_58 = vector.shape_cast %reduce_sum3A_57 : vector<1xf32> to vector<1x1xf32>
    %reduce_sum3A_59 = vector.extract %reduce_sum3A_58[0, 0] : f32 from vector<1x1xf32>
    %reduce_sum3A_60 = vector.shape_cast %convert_element_type3A_53 : vector<19xf32> to vector<1x19xf32>
    %reduce_sum3A_61 = arith.constant dense<0.000000e+00> : vector<1xf32>
    %reduce_sum3A_62 = vector.multi_reduction <add>, %reduce_sum3A_60, %reduce_sum3A_61 [1] : vector<1x19xf32> to vector<1xf32>
    %reduce_sum3A_63 = vector.shape_cast %reduce_sum3A_62 : vector<1xf32> to vector<1x1xf32>
    %reduce_sum3A_64 = vector.extract %reduce_sum3A_63[0, 0] : f32 from vector<1x1xf32>
    %max3A = arith.constant 1.000000e+00 : f32
    %max3A_65 = arith.maximumf %reduce_sum3A_64, %max3A : f32
    %div3A_66 = arith.divf %reduce_sum3A_59, %max3A_65 : f32
    %broadcast_in_dim3A_67 = vector.broadcast %div3A_66 : f32 to vector<1x1xf32>
    %swap3A = arith.constant 0 : index
    %swap3A_68 = arith.constant 0 : index
    %swap3A_69 = vector.load %arg1[%swap3A, %swap3A_68] : memref<1x1xf32, #tpu.memory_space<vmem>>, vector<1x1xf32>
    tpu.vector_store %arg1[%swap3A, %swap3A_68], %broadcast_in_dim3A_67 {strides = array<i32>} : memref<1x1xf32, #tpu.memory_space<vmem>>, vector<1x1xf32>,
    return
  }
}

module attributes {stable_mosaic.version = 14 : i64} {
  func.func @_p1_body(%arg0: i32, %arg1: i32, %arg2: memref<2x19x64x512xf32, #tpu.memory_space<vmem>>, %arg3: memref<2x64x512xi32, #tpu.memory_space<vmem>>, %arg4: memref<1x19x64x512xi32, #tpu.memory_space<vmem>>) attributes {dimension_semantics = [#tpu.dimension_semantics<arbitrary>, #tpu.dimension_semantics<arbitrary>], iteration_bounds = array<i64: 2, 8>, scalar_prefetch = 0 : i64, scratch_operands = 0 : i64, tpu.core_type = #tpu.core_type<tc>, window_params = [{transform_indices = @transform_0, window_bounds = array<i64: 2, 19, 64, 512>}, {transform_indices = @transform_1, window_bounds = array<i64: 2, 64, 512>}, {transform_indices = @transform_2, window_bounds = array<i64: 1, 19, 64, 512>}]} {
    %get3A = arith.constant 0 : index
    %get3A_0 = arith.constant 0 : index
    %get3A_1 = arith.constant 0 : index
    %get3A_2 = arith.constant 0 : index
    %get3A_3 = vector.load %arg2[%get3A, %get3A_0, %get3A_1, %get3A_2] : memref<2x19x64x512xf32, #tpu.memory_space<vmem>>, vector<2x19x64x512xf32>
    %reduce_max3A = arith.constant dense<0xFF800000> : vector<2x64x512xf32>
    %reduce_max3A_4 = vector.multi_reduction <maximumf>, %get3A_3, %reduce_max3A [1] : vector<2x19x64x512xf32> to vector<2x64x512xf32>
    %broadcast_in_dim3A = vector.shape_cast %reduce_max3A_4 : vector<2x64x512xf32> to vector<2x1x64x512xf32>
    %sub3A = vector.broadcast %broadcast_in_dim3A : vector<2x1x64x512xf32> to vector<2x19x64x512xf32>
    %sub3A_5 = arith.subf %get3A_3, %sub3A : vector<2x19x64x512xf32>
    %exp3A = math.exp %sub3A_5 : vector<2x19x64x512xf32>
    %reduce_sum3A = arith.constant dense<0.000000e+00> : vector<2x64x512xf32>
    %reduce_sum3A_6 = vector.multi_reduction <add>, %exp3A, %reduce_sum3A [1] : vector<2x19x64x512xf32> to vector<2x64x512xf32>
    %broadcast_in_dim3A_7 = vector.shape_cast %reduce_sum3A_6 : vector<2x64x512xf32> to vector<2x1x64x512xf32>
    %div3A = vector.broadcast %broadcast_in_dim3A_7 : vector<2x1x64x512xf32> to vector<2x19x64x512xf32>
    %div3A_8 = arith.divf %exp3A, %div3A : vector<2x19x64x512xf32>
    %get3A_9 = arith.constant 0 : index
    %get3A_10 = arith.constant 0 : index
    %get3A_11 = arith.constant 0 : index
    %get3A_12 = vector.load %arg3[%get3A_9, %get3A_10, %get3A_11] : memref<2x64x512xi32, #tpu.memory_space<vmem>>, vector<2x64x512xi32>
    %iota3A = tpu.iota {dimensions = array<i32: 1>} : vector<2x19x64x512xi32>
    %broadcast_in_dim3A_13 = vector.shape_cast %get3A_12 : vector<2x64x512xi32> to vector<2x1x64x512xi32>
    %eq3A = vector.broadcast %broadcast_in_dim3A_13 : vector<2x1x64x512xi32> to vector<2x19x64x512xi32>
    %eq3A_14 = arith.cmpi eq, %eq3A, %iota3A : vector<2x19x64x512xi32>
    %sub3A_15 = arith.constant 1.000000e+00 : f32
    %sub3A_16 = vector.broadcast %sub3A_15 : f32 to vector<2x19x64x512xf32>
    %sub3A_17 = arith.subf %sub3A_16, %div3A_8 : vector<2x19x64x512xf32>
    %select_n3A = arith.select %eq3A_14, %sub3A_17, %div3A_8 : vector<2x19x64x512xi1>, vector<2x19x64x512xf32>
    %mul3A = arith.constant 1.024000e+03 : f32
    %mul3A_18 = vector.broadcast %mul3A : f32 to vector<2x19x64x512xf32>
    %mul3A_19 = arith.mulf %select_n3A, %mul3A_18 : vector<2x19x64x512xf32>
    %convert_element_type3A = arith.fptosi %mul3A_19 : vector<2x19x64x512xf32> to vector<2x19x64x512xi32>
    %min3A = arith.constant 1023 : i32
    %min3A_20 = vector.broadcast %min3A : i32 to vector<2x19x64x512xi32>
    %min3A_21 = arith.minsi %convert_element_type3A, %min3A_20 : vector<2x19x64x512xi32>
    %jit3A = arith.constant 19456 : i32
    %jit3A_22 = arith.constant 0 : i32
    %broadcast_in_dim3A_23 = vector.broadcast %jit3A : i32 to vector<2x19x64x512xi32>
    %broadcast_in_dim3A_24 = vector.broadcast %jit3A_22 : i32 to vector<2x19x64x512xi32>
    %select_n3A_25 = arith.select %eq3A_14, %broadcast_in_dim3A_23, %broadcast_in_dim3A_24 : vector<2x19x64x512xi1>, vector<2x19x64x512xi32>
    %mul3A_26 = arith.constant 1024 : i32
    %mul3A_27 = vector.broadcast %mul3A_26 : i32 to vector<2x19x64x512xi32>
    %mul3A_28 = arith.muli %iota3A, %mul3A_27 : vector<2x19x64x512xi32>
    %add3A = arith.addi %select_n3A_25, %mul3A_28 : vector<2x19x64x512xi32>
    %add3A_29 = arith.addi %add3A, %min3A_21 : vector<2x19x64x512xi32>
    %slice3A = vector.extract_strided_slice %add3A_29 {offsets = [0, 0, 0, 0], sizes = [1, 19, 64, 512], strides = [1, 1, 1, 1]} : vector<2x19x64x512xi32> to vector<1x19x64x512xi32>
    %squeeze3A = vector.shape_cast %slice3A : vector<1x19x64x512xi32> to vector<19x64x512xi32>
    %slice3A_30 = vector.extract_strided_slice %add3A_29 {offsets = [1, 0, 0, 0], sizes = [1, 19, 64, 512], strides = [1, 1, 1, 1]} : vector<2x19x64x512xi32> to vector<1x19x64x512xi32>
    %squeeze3A_31 = vector.shape_cast %slice3A_30 : vector<1x19x64x512xi32> to vector<19x64x512xi32>
    %shift_left3A = arith.constant 16 : i32
    %shift_left3A_32 = vector.broadcast %shift_left3A : i32 to vector<19x64x512xi32>
    %shift_left3A_33 = arith.shli %squeeze3A_31, %shift_left3A_32 : vector<19x64x512xi32>
    %or3A = arith.ori %squeeze3A, %shift_left3A_33 : vector<19x64x512xi32>
    %swap3A = arith.constant 0 : index
    %swap3A_34 = arith.constant 0 : index
    %swap3A_35 = arith.constant 0 : index
    %swap3A_36 = arith.constant 0 : index
    %swap3A_37 = vector.load %arg4[%swap3A, %swap3A_34, %swap3A_35, %swap3A_36] : memref<1x19x64x512xi32, #tpu.memory_space<vmem>>, vector<1x19x64x512xi32>
    %swap3A_38 = vector.shape_cast %swap3A_37 : vector<1x19x64x512xi32> to vector<19x64x512xi32>
    %swap3A_39 = vector.shape_cast %or3A : vector<19x64x512xi32> to vector<1x19x64x512xi32>
    tpu.vector_store %arg4[%swap3A, %swap3A_34, %swap3A_35, %swap3A_36], %swap3A_39 {strides = array<i32>} : memref<1x19x64x512xi32, #tpu.memory_space<vmem>>, vector<1x19x64x512xi32>,
    return
  }
  func.func @transform_0(%arg0: i32, %arg1: i32) -> (i32, i32, i32, i32) {
    %c0_i32 = arith.constant 0 : i32
    %c0_i32_0 = arith.constant 0 : i32
    %c0_i32_1 = arith.constant 0 : i32
    return %arg0, %c0_i32, %arg1, %c0_i32_0 : i32, i32, i32, i32
  }
  func.func @transform_1(%arg0: i32, %arg1: i32) -> (i32, i32, i32) {
    %c0_i32 = arith.constant 0 : i32
    %c0_i32_0 = arith.constant 0 : i32
    return %arg0, %arg1, %c0_i32 : i32, i32, i32
  }
  func.func @transform_2(%arg0: i32, %arg1: i32) -> (i32, i32, i32, i32) {
    %c0_i32 = arith.constant 0 : i32
    %c0_i32_0 = arith.constant 0 : i32
    %c0_i32_1 = arith.constant 0 : i32
    return %arg0, %c0_i32, %arg1, %c0_i32_0 : i32, i32, i32, i32
  }
}

</mosaic_0001>

<sc_bundles>
// kernel: kernel.5.cloned.1.call-start
scs
__scs_entry_jumppad:
0x0: {  	(pc) =	sbr.rel $0x88, $3  }
0x1: {  	(tag) =	ssettag $0x0;
	lr =	simm.s32 $0x1  }
0x2: {  	[smem:$0x3F9F] =	sst lr;
	_ =	strace $0xD0000000  }
0x3: {  	_ = 	snop  }
0x4: {  	_ = 	snop  }
0x5: {  	_ = 	snop  }
0x6: {  	_ = 	snop  }
0x7: {  	_ = 	snop  }
__scs_overlays_trampoline_lowered:
0x8: {  	[smem:$0x3FAE] =	sst s0  }
0x9: {  	[smem:$0x3FAF] =	sst s1  }
0xa: {  	[smem:$0x3FB0] =	sst s2  }
0xb: {  	[smem:$0x3FB1] =	sst s3  }
0xc: {  	[smem:$0x3FB2] =	sst s4  }
0xd: {  	[smem:$0x3FB3] =	sst s5  }
0xe: {  	[smem:$0x3FB4] =	sst s6  }
0xf: {  	[smem:$0x3FB5] =	sst s7  }
0x10: {  	[smem:$0x3FB6] =	sst s8  }
0x11: {  	[smem:$0x3FB7] =	sst s9;
	s0 =	simm.s32 @!p0 $0x0  }
0x12: {  	s1 =	sld [smem:$0x3F9D];
	s0 =	simm.s32 @p0 $0x1  }
0x13: {  	[smem:$0x3FB8] =	sst s0;
	s0 =	simm.s32 @!p1 $0x0  }
0x14: {  	s2 =	sld [smem:$0x3F9C];
	s0 =	simm.s32 @p1 $0x1  }
0x15: {  	[smem:$0x3FB9] =	sst s0;
	s0 =	simm.s32 @!p2 $0x0  }
0x16: {  	s3 =	sld [smem:$0x3FDB];
	s0 =	simm.s32 @p2 $0x1  }
0x17: {  	s4 =	simm.s32 $0x1BF5;
	[smem:$0x3FBB] =	sst s0  }
0x18: {  	s0 =	sld [smem:$0x3F9E];
	_ =	swait.ge [sflag:s4], $0x0  }
0x19: {  	s7 =	sld [smem:$0x3F9F]  }
0x1a: {  	s8 =	sadd.s32 $0xFFFFE003, lr  }
0x1b: {  	s9 =	sadd.s32 $0xFFFFFEF7, lr;
	s5 =	simm.s32 $0xFFFFFFFF;
	p2 =	slt.u32 s8, $0xFFFFF086  }
0x1c: {  	p1 =	slt.u32 s9, $0xF7A;
	s5 =	simm.s32 @!p2 $0x0  }
0x1d: {  	s5 =	simm.s32 @p1 $0x1;
	p0 =	seq.s32 s7, s2  }
0x1e: {  	s7 =	smul.u32 @!p0 $0xF7A, s2;
	p2 =	seq.s32 @!p0 s5, $0x0  }
0x1f: {  	s9 =	smul.u32 $0xF7A, s1;
	s8 =	simm.s32 @!p0 $0x1BF5;
	p2 =	por !p2, p0  }
0x20: {  	[sflag:s8] =	ssyncset.s32 @!p0 $0xFFFFF086;
	s6 =	sadd.s32 @!p0 s3, s7;
	s7 =	simm.s32 @!p0 $0x108  }
0x21: {  	s3 =	sadd.s32 s3, s9;
	s6 =	sadd.s32 @!p0 $0x88, s6;
	s7 =	simm.s32 @p2 $0x1082  }
0x22: {  	[simem:s7], [sflag:s8] =	dma.local @!p0 [hbm:s6], $0xF7A  }
0x23: {  	s9 =	sor.u32 $0xD0000000, s2;
	s6 =	simm.s32 $0x108;
	_ =	swait.ge @!p0 [sflag:s8], $0x0  }
0x24: {  	s3 =	sadd.s32 $0x88, s3;
	s6 =	simm.s32 @!p1 $0x1082;
	[sflag:s4] =	ssyncset.s32 $0xFFFFF086  }
0x25: {  	[simem:s6], [sflag:s4] =	dma.local [hbm:s3], $0xF7A  }
0x26: {  	[smem:$0x3F9F] =	sst s1;
	(tag) =	ssettag s2;
	_ =	strace s9  }
0x27: {  	s1 =	sld [smem:$0x3FAF]  }
0x28: {  	s2 =	sld [smem:$0x3FB0]  }
0x29: {  	s4 =	sld [smem:$0x3FB2]  }
0x2a: {  	p0 =	seq.s32 s5, $0x0;
	s5 =	sld [smem:$0x3FB3]  }
0x2b: {  	s6 =	sld [smem:$0x3FB4]  }
0x2c: {  	s7 =	sld [smem:$0x3FB5]  }
0x2d: {  	s3 =	simm.s32 $0x108;
	s8 =	sld [smem:$0x3FB6]  }
0x2e: {  	s3 =	simm.s32 @!p0 $0x1082;
	s9 =	sld [smem:$0x3FB7]  }
0x2f: {  	lr =	sadd.s32 s0, s3;
	s0 =	sld [smem:$0x3FAE]  }
0x30: {  	s3 =	sld [smem:$0x3FB1]  }
0x31: {  	[smem:$0x3FBA] =	sst s10  }
0x32: {  	s10 =	sld [smem:$0x3FB8];
	_ =	sdelay $0x3  }
0x33: {  	p0 =	seq.s32 s10, $0x1;
	s10 =	sld [smem:$0x3FBA];
	_ =	sdelay $0x3  }
0x34: {  	[smem:$0x3FBA] =	sst s10  }
0x35: {  	s10 =	sld [smem:$0x3FB9];
	_ =	sdelay $0x3  }
0x36: {  	p1 =	seq.s32 s10, $0x1;
	s10 =	sld [smem:$0x3FBA];
	_ =	sdelay $0x3  }
0x37: {  	[smem:$0x3FBA] =	sst s10  }
0x38: {  	s10 =	sld [smem:$0x3FBB]  }
0x39: {  	_ = 	snop;
	(pc) =	sbr.ind lr, $3  }
0x3a: {  	_ = 	snop  }
0x3b: {  	_ = 	snop  }
0x3c: {  	p2 =	seq.s32 s10, $0x1;
	s10 =	sld [smem:$0x3FBA]  }
0x3d: {  	_ =	shalt  }
0x3e: {  	_ =	shalt  }
0x3f: {  	_ =	shalt  }
0x40: {  	_ =	shalt  }
0x41: {  	_ =	shalt  }
0x42: {  	_ =	shalt  }
0x43: {  	_ =	shalt  }
0x44: {  	_ =	shalt  }
0x45: {  	_ =	shalt  }
0x46: {  	_ =	shalt  }
0x47: {  	_ =	shalt  }
0x48: {  	_ =	shalt  }
0x49: {  	_ =	shalt  }
0x4a: {  	_ =	shalt  }
0x4b: {  	_ =	shalt  }
0x4c: {  	_ =	shalt  }
0x4d: {  	_ =	shalt  }
0x4e: {  	_ =	shalt  }
0x4f: {  	_ =	shalt  }
0x50: {  	_ =	shalt  }
0x51: {  	_ =	shalt  }
0x52: {  	_ =	shalt  }
0x53: {  	_ =	shalt  }
0x54: {  	_ =	shalt  }
0x55: {  	_ =	shalt  }
0x56: {  	_ =	shalt  }
0x57: {  	_ =	shalt  }
0x58: {  	_ =	shalt  }
0x59: {  	_ =	shalt  }
0x5a: {  	_ =	shalt  }
0x5b: {  	_ =	shalt  }
0x5c: {  	_ =	shalt  }
0x5d: {  	_ =	shalt  }
0x5e: {  	_ =	shalt  }
0x5f: {  	_ =	shalt  }
0x60: {  	_ =	shalt  }
0x61: {  	_ =	shalt  }
0x62: {  	_ =	shalt  }
0x63: {  	_ =	shalt  }
0x64: {  	_ =	shalt  }
0x65: {  	_ =	shalt  }
0x66: {  	_ =	shalt  }
0x67: {  	_ =	shalt  }
0x68: {  	_ =	shalt  }
0x69: {  	_ =	shalt  }
0x6a: {  	_ =	shalt  }
0x6b: {  	_ =	shalt  }
0x6c: {  	_ =	shalt  }
0x6d: {  	_ =	shalt  }
0x6e: {  	_ =	shalt  }
0x6f: {  	_ =	shalt  }
0x70: {  	_ =	shalt  }
0x71: {  	_ =	shalt  }
0x72: {  	_ =	shalt  }
0x73: {  	_ =	shalt  }
0x74: {  	_ =	shalt  }
0x75: {  	_ =	shalt  }
0x76: {  	_ =	shalt  }
0x77: {  	_ =	shalt  }
0x78: {  	_ =	shalt  }
0x79: {  	_ =	shalt  }
0x7a: {  	_ =	shalt  }
0x7b: {  	_ =	shalt  }
0x7c: {  	_ =	shalt  }
0x7d: {  	_ =	shalt  }
0x7e: {  	_ =	shalt  }
0x7f: {  	_ =	shalt  }
0x80: {  	_ =	shalt  }
0x81: {  	_ =	shalt  }
0x82: {  	_ =	shalt  }
0x83: {  	_ =	shalt  }
0x84: {  	_ =	shalt  }
0x85: {  	_ =	shalt  }
0x86: {  	_ =	shalt  }
0x87: {  	_ =	shalt  }
.Lfunc_end0:
.L_simem_size_0:
called_computation_lowered:
.L_overlay_start_0:
0x88: {  	s2 =	sld [smem:$0x3FD9]  }
0x89: {  	s3 =	sld [smem:$0x3FFE];
	_ =	sdelay $0x1  }
0x8a: {  	s1 =	srdreg.scid  }
0x8b: {  	s0 =	sand.u32 $0x1, s1  }
0x8c: {  	s16 =	sshll.u32 s0, $0xA;
	s2 =	sadd.s32 s3, s2  }
0x8d: {  	s2 =	sadd.s32 s2, s16  }
0x8e: {  	[smem:$0x3FC6] =	sst s2  }
0x8f: {  	_ = 	snop  }
0x90: {  	(tm) =	ssettm $0x1  }
0x91: {  	s17 =	sld [smem:$0x3FFB];
	_ =	sdelay $0x3  }
0x92: {  	_ =	strace s17  }
0x93: {  	s2 =	sld [smem:$0x3FFC];
	_ =	sdelay $0x3  }
0x94: {  	_ =	strace s2  }
0x95: {  	s2 =	sld [smem:$0x3FFD];
	_ =	sdelay $0x3  }
0x96: {  	_ =	strace s2  }
0x97: {  	_ =	strace $0x8FFFFFFF  }
0x98: {  	s18 =	sld [smem:$0x3FDB];
	_ =	sdelay $0x1  }
0x99: {  	s19 =	simm.s32 $_scs_section_size  }
0x9a: {  	s4 =	simm.s32 $_size__tile_overlayer_lowered;
	s5 =	simm.s32 $_tile_overlayer_lowered  }
0x9b: {  	s22 =	simm.s32 $0x1BFF;
	s21 =	sshll.u32 s5, $0x1;
	s2 =	sadd.s32 s19, s18  }
0x9c: {  	s6 =	simm.s32 $0x0;
	s20 =	sshll.u32 s4, $0x1;
	s4 =	sadd.s32 s21, s2  }
0x9d: {  	[timem:s6], [sflag:s22] =	dma.local [hbm:s4], s20  }
0x9e: {  	_ =	swait.ge [sflag:s22], s20  }
0x9f: {  	s3 =	ssub.s32 $0x0, s20;
	[sflag:s22] =	ssyncset.done $0x0  }
0xa0: {  	[sflag:s22] =	ssyncadd.s32 s3;
	_ =	sdelay $0x1  }
0xa1: {  	s23 =	simm.s32 $0x1B8B  }
0xa2: {  	_ =	swait.ge [sflag:s23], $0x1  }
0xa3: {  	[sflag:s23] =	ssyncset.done $0x0  }
0xa4: {  	s25 =	simm.s32 $0x1B8E;
	s24 =	sld [smem:$0x3FFE];
	[sflag:s23] =	ssyncadd.s32 $0xFFFFFFFF  }
0xa5: {  	s26 =	simm.s32 $execute0_lowered;
	[smem:$0x3FD2] =	sst s25  }
0xa6: {  	s4 =	sshll.u32 s26, $0x1;
	_ =	strace $0x80000046;
	[dreg:$0x1] =	wrdreg $0xFFFFFFFF  }
0xa7: {  	s28 =	simm.s32 $_size_execute0_lowered;
	s2 =	sadd.s32 s2, s4;
	[dreg:$0x0] =	wrdreg $0x0  }
0xa8: {  	s4 =	sshll.u32 s28, $0x1;
	[dreg:$0x2] =	wrdreg s2  }
0xa9: {  	[dreg:$0x3] =	wrdreg s4  }
0xaa: {  	[dreg:$0x4] =	wrdreg $0xC0  }
0xab: {  	_ =	task [dreg:s6], $0x5FFFF  }
0xac: {  	[dreg:$0x1] =	wrdreg $0xFFFFFFFF  }
0xad: {  	[dreg:$0x0] =	wrdreg $0x60  }
0xae: {  	[dreg:$0x2] =	wrdreg s24  }
0xaf: {  	[dreg:$0x3] =	wrdreg $0x9  }
0xb0: {  	_ =	task.clear_ibuf [dreg:s6], $0x4FFFF;
	_ =	strace $0x90000046  }
0xb1: {  	s29 =	simm.s32 $0x9;
	_ =	strace $0x80000048  }
0xb2: {  	_ =	swait.ge [sflag:s29], $0x1  }
0xb3: {  	[sflag:s29] =	ssyncadd.s32 $0xFFFFFFFF  }
0xb4: {  	_ =	strace $0x90000048  }
0xb5: {  	_ =	sfence  }
0xb6: {  	s30 =	sld [smem:$0x0];
	_ =	sdelay $0x2  }
0xb7: {  	s31 =	sshll.u32 s1, $0xD;
	s1 =	sshrl.u32 s1, $0x2  }
0xb8: {  	s3 =	sand.u32 $0x4000, s31;
	s1 =	sadd.s32 s1, s30  }
0xb9: {  	s0 =	sor.u32 s3, s0;
	s1 =	sshll.u32 s1, $0x11  }
0xba: {  	s0 =	sor.u32 s1, s0  }
0xbb: {  	s0 =	sadd.s32 $0x8F2B, s0  }
0xbc: {  	[sflag:s0] =	ssyncadd.remote.s32 $0x1  }
0xbd: {  	_ =	sfence.sel $0xFFFF  }
0xbe: {  	[dreg:$0x0] =	wrdreg $0xFFFFFFFF;
	(pc) =	sbr.abs _section_cstart, $3  }
0xbf: {  	[dreg:$0x1] =	wrdreg $0xFFFFFFFF  }
0xc0: {  	_ =	task.clear_ibuf [dreg:s6], $0x2FFFF;
	_ =	strace $0x9FFFFFFF  }
0xc1: {  	(tm) =	ssettm $0x7FFFFFFF  }
tec
execute0_lowered:
.L_overlay_start_1:
0x0: {  	(tag) =	ssettag $0x1  }
0x1: {  	s4 =	rddreg [dreg:$0x0];
	s2 =	srdreg.scid  }
0x2: {  	s1 =	stileid.u32;
	s0 =	rddreg [dreg:$0x1];
	s10 =	simm.s32 $0x1  }
0x3: {  	s11 =	simm.s32 $0x4000;
	s12 =	simm.s32 $0x2;
	s13 =	simm.s32 $0x80  }
0x4: {  	s14 =	simm.s32 $0x400;
	s15 =	simm.s32 $0x3;
	s3 =	sand.u32 $0x1, s2  }
0x5: {  	s5 =	sshll.u32 s1, $0x1;
	s2 =	simm.s32 $0x0;
	s6 =	sshrl.u32 s1, $0x2  }
0x6: {  	s5 =	sor.u32 s3, s5;
	[smem:$0x7FF] =	sst s2;
	s6 =	smul.u32 $0x4C000, s6  }
0x7: {  	s31 =	ssub.s32 $0x2, s3;
	s7 =	sshll.u32 s5, $0x7;
	s8 =	smul.u32 $0x9800, s5  }
0x8: {  	s3 =	sadd.s32 $0x600, s4;
	s5 =	smul.u32 $0x4C000, s5;
	s7 =	sand.u32 $0x380, s7  }
0x9: {  	_ =	strace $0x80000047;
	s9 =	sshrl.u32 s31, $0x1;
	s6 =	sor.u32 s6, s7  }
0xa: {  	s7 =	ssub.s32 s31, s9;
	s5 =	sadd.s32 $0x4000, s5;
	s6 =	sshrl.u32 s6, $0x3  }
0xb: {  	s9 =	simm.s32 $0x2000;
	s6 =	sadd.s32 s6, s4;
	s4 =	sadd.s32 s3, s8  }
0xc: {  	v0 =	vimm.f32 $0.0e+00;
	v1 =	vimm.f32 $1.000000000e+00;
	s7 =	smax.u32 s7, $0x1;
	s6 =	sadd.s32 $0x130600, s6;
	s8 =	sadd.s32 $0x400, s4  }
.LBB2_1:
0xd: {  	s16 =	simm.s32 $0x0;
	[tilespmem:s11+$0x0] =	vst v0;
	s17 =	simm.s32 $0x4000  }
.LBB2_2:
0xe: {  	s16 =	sadd.s32 $0x10, s16  }
0xf: {  	p0 =	slt.u32 s16, $0x97F0  }
.Ltmp0:
0x10: {  	_ = 	snop;
	(pc) =	sbr.rel @p0 .LBB2_2-.Ltmp0, $3  }
0x11: {  	_ =	sdelay $0x1  }
0x12: {  	s17 =	sadd.s32 $0x10, s17  }
0x13: {  	[tilespmem:s17+$0x0] =	vst v0  }
0x14: {  	s16 =	simm.s32 $0x0;
	s17 =	simm.s32 $0x0  }
0x15: {  	[tilespmem:s16], [sflag:$0x1] =	stream.linear.gather [hbm4b:s4+s16], $0x2000, $0x38;
	[tilespmem:$0xD800] =	vst v63  }
.LBB2_4:
0x16: {  	s18 =	sshll.u32 s17, $0xB  }
0x17: {  	s18 =	sadd.s32 s8, s18  }
0x18: {  	[tilespmem:s9], [sflag:$0x2] =	stream.linear.gather [hbm4b:s18+s16], $0x2000, $0x38;
	[tilespmem:$0xD800] =	vst v63  }
0x19: {  	_ =	swait.ge [sflag:s10], $0x2000  }
0x1a: {  	[sflag:s10] =	ssyncset.done $0x0  }
0x1b: {  	s18 =	simm.s32 $0x0;
	[sflag:s10] =	ssyncadd.s32 $0xFFFFE000  }
.LBB2_5:
0x1c: {  	s19 =	sshll.u32 s18, $0x7  }
0x1d: {  	s21 =	sand.u32 $0x380, s19  }
0x1e: {  	v2 =	vmov s21  }
0x1f: {  	s20 =	sshll.u32 s18, $0x9  }
0x20: {  	p0 =	por $0x1, $0x1;
	s19 =	sand.u32 $0x1000, s20;
	s20 =	simm.s32 $0x0  }
.LBB2_6:
0x21: {  	s20 =	sshra.s32 s20, $0x2  }
0x22: {  	s20 =	sadd.s32 s20, s19  }
0x23: {  	v3 =	vld.idx.msk [tilespmem:v2+s20+$0x0 ss:$0x1], $0xffff;
	_ =	sdelay $0x4  }
0x24: {  	v4 =	vld.idx.msk [tilespmem:v2+s20+$0x10 ss:$0x1], $0xffff;
	v5 =	vand.u32 $0xFFFF, v3  }
0x25: {  	v6 =	vld.idx.msk [tilespmem:v2+s20+$0x20 ss:$0x1], $0xffff;
	v3 =	vshrl.u32 v3, $0x10  }
0x26: {  	v8 =	vld.idx.msk [tilespmem:v2+s20+$0x30 ss:$0x1], $0xffff  }
0x27: {  	v37 =	vld.idx.msk [tilespmem:v2+s20+$0x40 ss:$0x1], $0xffff  }
0x28: {  	v39 =	vld.idx.msk [tilespmem:v2+s20+$0x50 ss:$0x1], $0xffff  }
0x29: {  	[tilespmem:v5+s11+$0x0] =	vst.idx.add.f32.msk $0xffff, v1  }
0x2a: {  	[tilespmem:v3+s11+$0x0] =	vst.idx.add.f32.msk $0xffff, v1;
	v3 =	vand.u32 $0xFFFF, v6  }
0x2b: {  	v41 =	vld.idx.msk [tilespmem:v2+s20+$0x60 ss:$0x1], $0xffff  }
0x2c: {  	v9 =	vld.idx.msk [tilespmem:v2+s20+$0x70 ss:$0x1], $0xffff  }
0x2d: {  	v45 =	vld.idx.msk [tilespmem:v2+s20+$0x400 ss:$0x1], $0xffff  }
0x2e: {  	v48 =	vld.idx.msk [tilespmem:v2+s20+$0x410 ss:$0x1], $0xffff;
	v38 =	vand.u32 $0xFFFF, v8  }
0x2f: {  	[tilespmem:v3+s11+$0x0] =	vst.idx.add.f32.msk $0xffff, v1;
	v3 =	vshrl.u32 v8, $0x10  }
0x30: {  	v51 =	vld.idx.msk [tilespmem:v2+s20+$0x420 ss:$0x1], $0xffff  }
0x31: {  	v53 =	vld.idx.msk [tilespmem:v2+s20+$0x430 ss:$0x1], $0xffff  }
0x32: {  	v55 =	vld.idx.msk [tilespmem:v2+s20+$0x440 ss:$0x1], $0xffff  }
0x33: {  	v43 =	vand.u32 $0xFFFF, v39;
	[tilespmem:v38+s11+$0x0] =	vst.idx.add.f32.msk $0xffff, v1  }
0x34: {  	[tilespmem:v3+s11+$0x0] =	vst.idx.add.f32.msk $0xffff, v1;
	v3 =	vshrl.u32 v39, $0x10  }
0x35: {  	v56 =	vld.idx.msk [tilespmem:v2+s20+$0x450 ss:$0x1], $0xffff;
	v7 =	vand.u32 $0xFFFF, v4  }
0x36: {  	v58 =	vld.idx.msk [tilespmem:v2+s20+$0x460 ss:$0x1], $0xffff;
	v40 =	vand.u32 $0xFFFF, v37  }
0x37: {  	v10 =	vld.idx.msk [tilespmem:v2+s20+$0x470 ss:$0x1], $0xffff;
	v44 =	vand.u32 $0xFFFF, v41  }
0x38: {  	v47 =	vand.u32 $0xFFFF, v9;
	[tilespmem:v43+s11+$0x0] =	vst.idx.add.f32.msk $0xffff, v1  }
0x39: {  	[tilespmem:v3+s11+$0x0] =	vst.idx.add.f32.msk $0xffff, v1;
	v3 =	vshrl.u32 v9, $0x10  }
0x3a: {  	v49 =	vand.u32 $0xFFFF, v45;
	[tilespmem:v7+s11+$0x0] =	vst.idx.add.f32.msk $0xffff, v1  }
0x3b: {  	v54 =	vand.u32 $0xFFFF, v51;
	[tilespmem:v40+s11+$0x0] =	vst.idx.add.f32.msk $0xffff, v1  }
0x3c: {  	v57 =	vand.u32 $0xFFFF, v53;
	[tilespmem:v44+s11+$0x0] =	vst.idx.add.f32.msk $0xffff, v1  }
0x3d: {  	v59 =	vand.u32 $0xFFFF, v55;
	[tilespmem:v47+s11+$0x0] =	vst.idx.add.f32.msk $0xffff, v1  }
0x3e: {  	[tilespmem:v3+s11+$0x0] =	vst.idx.add.f32.msk $0xffff, v1;
	v3 =	vand.u32 $0xFFFF, v48  }
0x3f: {  	v61 =	vand.u32 $0xFFFF, v58;
	[tilespmem:v49+s11+$0x0] =	vst.idx.add.f32.msk $0xffff, v1  }
0x40: {  	v63 =	vand.u32 $0xFFFF, v10;
	[tilespmem:v54+s11+$0x0] =	vst.idx.add.f32.msk $0xffff, v1  }
0x41: {  	v4 =	vshrl.u32 v4, $0x10;
	[tilespmem:v57+s11+$0x0] =	vst.idx.add.f32.msk $0xffff, v1  }
0x42: {  	v42 =	vshrl.u32 v37, $0x10;
	[tilespmem:v59+s11+$0x0] =	vst.idx.add.f32.msk $0xffff, v1  }
0x43: {  	[tilespmem:v3+s11+$0x0] =	vst.idx.add.f32.msk $0xffff, v1;
	v3 =	vshrl.u32 v51, $0x10  }
0x44: {  	v46 =	vshrl.u32 v41, $0x10;
	[tilespmem:v61+s11+$0x0] =	vst.idx.add.f32.msk $0xffff, v1  }
0x45: {  	v50 =	vshrl.u32 v45, $0x10;
	[tilespmem:v63+s11+$0x0] =	vst.idx.add.f32.msk $0xffff, v1  }
0x46: {  	v62 =	vshrl.u32 v58, $0x10;
	[tilespmem:v4+s11+$0x0] =	vst.idx.add.f32.msk $0xffff, v1  }
0x47: {  	v7 =	vshrl.u32 v53, $0x10;
	[tilespmem:v42+s11+$0x0] =	vst.idx.add.f32.msk $0xffff, v1  }
0x48: {  	[tilespmem:v3+s11+$0x0] =	vst.idx.add.f32.msk $0xffff, v1;
	v3 =	vand.u32 $0xFFFF, v56  }
0x49: {  	v36 =	vshrl.u32 v6, $0x10;
	[tilespmem:v46+s11+$0x0] =	vst.idx.add.f32.msk $0xffff, v1  }
0x4a: {  	[tilespmem:v50+s11+$0x0] =	vst.idx.add.f32.msk $0xffff, v1;
	v8 =	vshrl.u32 v55, $0x10  }
0x4b: {  	v52 =	vshrl.u32 v48, $0x10;
	[tilespmem:v62+s11+$0x0] =	vst.idx.add.f32.msk $0xffff, v1  }
0x4c: {  	v60 =	vshrl.u32 v56, $0x10;
	[tilespmem:v7+s11+$0x0] =	vst.idx.add.f32.msk $0xffff, v1  }
0x4d: {  	p1 =	por p0, p0;
	[tilespmem:v3+s11+$0x0] =	vst.idx.add.f32.msk $0xffff, v1;
	v3 =	vshrl.u32 v10, $0x10  }
.Ltmp1:
0x4e: {  	[tilespmem:v36+s11+$0x0] =	vst.idx.add.f32.msk $0xffff, v1;
	(pc) =	sbr.rel @p1 .LBB2_6-.Ltmp1, $4  }
0x4f: {  	[tilespmem:v8+s11+$0x0] =	vst.idx.add.f32.msk $0xffff, v1  }
0x50: {  	[tilespmem:v52+s11+$0x0] =	vst.idx.add.f32.msk $0xffff, v1  }
0x51: {  	[tilespmem:v60+s11+$0x0] =	vst.idx.add.f32.msk $0xffff, v1  }
0x52: {  	p0 =	por $0x0, $0x0;
	s20 =	simm.s32 $0x2000;
	[tilespmem:v3+s11+$0x0] =	vst.idx.add.f32.msk $0xffff, v1  }
0x53: {  	s18 =	sadd.s32 $0x1, s18  }
0x54: {  	p0 =	sne.s32 s18, $0x10  }
.Ltmp2:
0x55: {  	_ = 	snop;
	(pc) =	sbr.rel @p0 .LBB2_5-.Ltmp2, $1  }
0x56: {  	_ =	sdelay $0x3  }
0x57: {  	p0 =	seq.s32 s17, $0x12  }
0x58: {  	s18 =	sshll.u32 @!p0 s17, $0xE  }
0x59: {  	s18 =	sadd.s32 @!p0 s18, s5  }
0x5a: {  	s18 =	sshrl.u32 @!p0 s18, $0x3  }
0x5b: {  	s19 =	simm.s32 @!p0 $0x0;
	s18 =	sadd.s32 @!p0 s3, s18  }
0x5c: {  	[tilespmem:s19], [sflag:$0x1] =	stream.linear.gather @!p0 [hbm4b:s18+s19], $0x2000, $0x38;
	[tilespmem:$0xD800] =	vst v63  }
0x5d: {  	_ =	swait.ge [sflag:s12], $0x2000  }
0x5e: {  	[sflag:s12] =	ssyncset.done $0x0  }
0x5f: {  	s18 =	simm.s32 $0x0;
	[sflag:s12] =	ssyncadd.s32 $0xFFFFE000  }
.LBB2_9:
0x60: {  	s20 =	sshll.u32 s18, $0x7  }
0x61: {  	s20 =	sand.u32 $0x380, s20  }
0x62: {  	s19 =	sshll.u32 s18, $0x9;
	v2 =	vmov s20  }
0x63: {  	s19 =	sand.u32 $0x1000, s19  }
0x64: {  	p0 =	por $0x1, $0x1;
	s19 =	sor.u32 $0x2000, s19;
	s20 =	simm.s32 $0x0  }
.LBB2_10:
0x65: {  	s20 =	sshra.s32 s20, $0x2  }
0x66: {  	s20 =	sadd.s32 s20, s19  }
0x67: {  	v3 =	vld.idx.msk [tilespmem:v2+s20+$0x0 ss:$0x1], $0xffff;
	_ =	sdelay $0x4  }
0x68: {  	v4 =	vld.idx.msk [tilespmem:v2+s20+$0x10 ss:$0x1], $0xffff;
	v5 =	vand.u32 $0xFFFF, v3  }
0x69: {  	v6 =	vld.idx.msk [tilespmem:v2+s20+$0x20 ss:$0x1], $0xffff;
	v3 =	vshrl.u32 v3, $0x10  }
0x6a: {  	v8 =	vld.idx.msk [tilespmem:v2+s20+$0x30 ss:$0x1], $0xffff  }
0x6b: {  	v37 =	vld.idx.msk [tilespmem:v2+s20+$0x40 ss:$0x1], $0xffff  }
0x6c: {  	v39 =	vld.idx.msk [tilespmem:v2+s20+$0x50 ss:$0x1], $0xffff  }
0x6d: {  	[tilespmem:v5+s11+$0x0] =	vst.idx.add.f32.msk $0xffff, v1  }
0x6e: {  	[tilespmem:v3+s11+$0x0] =	vst.idx.add.f32.msk $0xffff, v1;
	v3 =	vand.u32 $0xFFFF, v6  }
0x6f: {  	v41 =	vld.idx.msk [tilespmem:v2+s20+$0x60 ss:$0x1], $0xffff  }
0x70: {  	v9 =	vld.idx.msk [tilespmem:v2+s20+$0x70 ss:$0x1], $0xffff  }
0x71: {  	v45 =	vld.idx.msk [tilespmem:v2+s20+$0x400 ss:$0x1], $0xffff  }
0x72: {  	v48 =	vld.idx.msk [tilespmem:v2+s20+$0x410 ss:$0x1], $0xffff;
	v38 =	vand.u32 $0xFFFF, v8  }
0x73: {  	[tilespmem:v3+s11+$0x0] =	vst.idx.add.f32.msk $0xffff, v1;
	v3 =	vshrl.u32 v8, $0x10  }
0x74: {  	v51 =	vld.idx.msk [tilespmem:v2+s20+$0x420 ss:$0x1], $0xffff  }
0x75: {  	v53 =	vld.idx.msk [tilespmem:v2+s20+$0x430 ss:$0x1], $0xffff  }
0x76: {  	v55 =	vld.idx.msk [tilespmem:v2+s20+$0x440 ss:$0x1], $0xffff  }
0x77: {  	v43 =	vand.u32 $0xFFFF, v39;
	[tilespmem:v38+s11+$0x0] =	vst.idx.add.f32.msk $0xffff, v1  }
0x78: {  	[tilespmem:v3+s11+$0x0] =	vst.idx.add.f32.msk $0xffff, v1;
	v3 =	vshrl.u32 v39, $0x10  }
0x79: {  	v56 =	vld.idx.msk [tilespmem:v2+s20+$0x450 ss:$0x1], $0xffff;
	v7 =	vand.u32 $0xFFFF, v4  }
0x7a: {  	v58 =	vld.idx.msk [tilespmem:v2+s20+$0x460 ss:$0x1], $0xffff;
	v40 =	vand.u32 $0xFFFF, v37  }
0x7b: {  	v10 =	vld.idx.msk [tilespmem:v2+s20+$0x470 ss:$0x1], $0xffff;
	v44 =	vand.u32 $0xFFFF, v41  }
0x7c: {  	v47 =	vand.u32 $0xFFFF, v9;
	[tilespmem:v43+s11+$0x0] =	vst.idx.add.f32.msk $0xffff, v1  }
0x7d: {  	[tilespmem:v3+s11+$0x0] =	vst.idx.add.f32.msk $0xffff, v1;
	v3 =	vshrl.u32 v9, $0x10  }
0x7e: {  	v49 =	vand.u32 $0xFFFF, v45;
	[tilespmem:v7+s11+$0x0] =	vst.idx.add.f32.msk $0xffff, v1  }
0x7f: {  	v54 =	vand.u32 $0xFFFF, v51;
	[tilespmem:v40+s11+$0x0] =	vst.idx.add.f32.msk $0xffff, v1  }
0x80: {  	v57 =	vand.u32 $0xFFFF, v53;
	[tilespmem:v44+s11+$0x0] =	vst.idx.add.f32.msk $0xffff, v1  }
0x81: {  	v59 =	vand.u32 $0xFFFF, v55;
	[tilespmem:v47+s11+$0x0] =	vst.idx.add.f32.msk $0xffff, v1  }
0x82: {  	[tilespmem:v3+s11+$0x0] =	vst.idx.add.f32.msk $0xffff, v1;
	v3 =	vand.u32 $0xFFFF, v48  }
0x83: {  	v61 =	vand.u32 $0xFFFF, v58;
	[tilespmem:v49+s11+$0x0] =	vst.idx.add.f32.msk $0xffff, v1  }
0x84: {  	v63 =	vand.u32 $0xFFFF, v10;
	[tilespmem:v54+s11+$0x0] =	vst.idx.add.f32.msk $0xffff, v1  }
0x85: {  	v4 =	vshrl.u32 v4, $0x10;
	[tilespmem:v57+s11+$0x0] =	vst.idx.add.f32.msk $0xffff, v1  }
0x86: {  	v42 =	vshrl.u32 v37, $0x10;
	[tilespmem:v59+s11+$0x0] =	vst.idx.add.f32.msk $0xffff, v1  }
0x87: {  	[tilespmem:v3+s11+$0x0] =	vst.idx.add.f32.msk $0xffff, v1;
	v3 =	vshrl.u32 v51, $0x10  }
0x88: {  	v46 =	vshrl.u32 v41, $0x10;
	[tilespmem:v61+s11+$0x0] =	vst.idx.add.f32.msk $0xffff, v1  }
0x89: {  	v50 =	vshrl.u32 v45, $0x10;
	[tilespmem:v63+s11+$0x0] =	vst.idx.add.f32.msk $0xffff, v1  }
0x8a: {  	v62 =	vshrl.u32 v58, $0x10;
	[tilespmem:v4+s11+$0x0] =	vst.idx.add.f32.msk $0xffff, v1  }
0x8b: {  	v7 =	vshrl.u32 v53, $0x10;
	[tilespmem:v42+s11+$0x0] =	vst.idx.add.f32.msk $0xffff, v1  }
0x8c: {  	[tilespmem:v3+s11+$0x0] =	vst.idx.add.f32.msk $0xffff, v1;
	v3 =	vand.u32 $0xFFFF, v56  }
0x8d: {  	v36 =	vshrl.u32 v6, $0x10;
	[tilespmem:v46+s11+$0x0] =	vst.idx.add.f32.msk $0xffff, v1  }
0x8e: {  	[tilespmem:v50+s11+$0x0] =	vst.idx.add.f32.msk $0xffff, v1;
	v8 =	vshrl.u32 v55, $0x10  }
0x8f: {  	v52 =	vshrl.u32 v48, $0x10;
	[tilespmem:v62+s11+$0x0] =	vst.idx.add.f32.msk $0xffff, v1  }
0x90: {  	v60 =	vshrl.u32 v56, $0x10;
	[tilespmem:v7+s11+$0x0] =	vst.idx.add.f32.msk $0xffff, v1  }
0x91: {  	p1 =	por p0, p0;
	[tilespmem:v3+s11+$0x0] =	vst.idx.add.f32.msk $0xffff, v1;
	v3 =	vshrl.u32 v10, $0x10  }
.Ltmp3:
0x92: {  	[tilespmem:v36+s11+$0x0] =	vst.idx.add.f32.msk $0xffff, v1;
	(pc) =	sbr.rel @p1 .LBB2_10-.Ltmp3, $4  }
0x93: {  	[tilespmem:v8+s11+$0x0] =	vst.idx.add.f32.msk $0xffff, v1  }
0x94: {  	[tilespmem:v52+s11+$0x0] =	vst.idx.add.f32.msk $0xffff, v1  }
0x95: {  	[tilespmem:v60+s11+$0x0] =	vst.idx.add.f32.msk $0xffff, v1  }
0x96: {  	p0 =	por $0x0, $0x0;
	s20 =	simm.s32 $0x2000;
	[tilespmem:v3+s11+$0x0] =	vst.idx.add.f32.msk $0xffff, v1  }
0x97: {  	s18 =	sadd.s32 $0x1, s18  }
0x98: {  	p0 =	sne.s32 s18, $0x10  }
.Ltmp4:
0x99: {  	_ = 	snop;
	(pc) =	sbr.rel @p0 .LBB2_9-.Ltmp4, $1  }
0x9a: {  	_ =	sdelay $0x3  }
0x9b: {  	s17 =	sadd.s32 $0x1, s17  }
0x9c: {  	p0 =	sne.s32 s17, $0x13  }
.Ltmp5:
0x9d: {  	_ = 	snop;
	(pc) =	sbr.rel @p0 .LBB2_4-.Ltmp5, $1  }
0x9e: {  	_ =	sdelay $0x3  }
0x9f: {  	s2 =	sadd.s32 $0x1, s2  }
0xa0: {  	p0 =	sne.s32 s2, s7  }
.Ltmp6:
0xa1: {  	_ = 	snop;
	(pc) =	sbr.rel @p0 .LBB2_1-.Ltmp6, $4  }
0xa2: {  	[hbm4b:s6+s13] =	stream.strided.scatter [tilespmem:s11], [sflag:$0x3], $0x9800, s14, s13, $0x38;
	[tilespmem:$0xD800] =	vst v63  }
0xa3: {  	_ =	swait.ge [sflag:s15], $0x9800  }
0xa4: {  	[sflag:s15] =	ssyncset.done $0x0  }
0xa5: {  	[sflag:s15] =	ssyncadd.s32 $0xFFFF6800  }
0xa6: {  	_ =	sfence.sel $0x180000  }
0xa7: {  	[bflag:$0x0] =	sbarrier.arrive $0xFFFF  }
0xa8: {  	p0 =	sne.s32 s1, $0x0;
	_ =	strace $0x90000047  }
0xa9: {  	s0 =	sadd.s32 @!p0 $0x100000, s0;
	[bflag:$0x2] =	sbarrier.arrive $0xFFFF  }
0xaa: {  	[sflag:s0] =	ssyncadd.tile.s32 @!p0 $0x1;
	_ =	shalt  }
.Lfunc_end2:
_tile_overlayer_lowered:
.L_overlay_start_2:
0xab: {  	(tag) =	ssettag $0x2  }
0xac: {  	s0 =	rddreg [dreg:$0x0];
	s2 =	stileid.u32  }
0xad: {  	s1 =	rddreg [dreg:$0x1];
	p0 =	sne.s32 s2, $0x0  }
0xae: {  	s3 =	rddreg [dreg:$0x2];
	[bflag:$0x3] =	sbarrier.arrive $0xFFFF;
	s2 =	simm.s32 @!p0 $0x1C03  }
0xaf: {  	[timem:s3], [sflag:s2] =	dma.local @!p0 [hbm:s0], s1  }
0xb0: {  	s0 =	simm.s32 @!p0 $0x3  }
0xb1: {  	_ =	swait.ge @!p0 [sflag:s0], s1  }
0xb2: {  	s1 =	ssub.s32 @!p0 $0x0, s1;
	[sflag:s0] =	ssyncset.done @!p0 $0x0  }
0xb3: {  	[sflag:s0] =	ssyncadd.s32 @!p0 s1  }
0xb4: {  	[bflag:$0x3] =	sbarrier.arrive $0xFFFF  }
0xb5: {  	_ =	shalt  }

</sc_bundles>
